<compile_context>
chip_gen: v7x
topology: tpu7x:2x2x1
jax: 0.10.2.dev20260603
libtpu: 0.0.44.dev20260713+nightly
codegen_flags: <defaults>
</compile_context>

<pallas_src>
import functools

import jax
import jax.numpy as jnp
from jax import lax
from jax.experimental import pallas as pl
from jax.experimental.pallas import tpu as pltpu
from jax.experimental.pallas import tpu_sc as plsc

EPS = 1e-9
LOG_EPS = -20.723265836946414
NSAMP = 15
NSAMP_PAD = 16
D = 64
BLOCK = 8192
LANES = 16


def _sc_gather(table_t, idx_padded):
    mesh = plsc.VectorSubcoreMesh(core_axis_name="c", subcore_axis_name="s", num_cores=1)

    @functools.partial(
        pl.kernel,
        mesh=mesh,
        out_type=jax.ShapeDtypeStruct((NSAMP_PAD, D), jnp.float32),
        compiler_params=pltpu.CompilerParams(needs_layout_passes=False),
        scratch_types=[
            pltpu.VMEM((NSAMP_PAD,), jnp.int32),
            pltpu.VMEM((D, 128), jnp.float32),
            pltpu.VMEM((1, D), jnp.float32),
            pltpu.SemaphoreType.DMA,
        ],
    )
    def gather_k(table_hbm, idx_hbm, out_hbm, idx_v, win_v, row_v, sem):
        cid = lax.axis_index("c")
        sid = lax.axis_index("s")
        wid = sid + cid * 0

        @pl.when(wid < NSAMP_PAD)
        def _():
            pltpu.sync_copy(idx_hbm, idx_v.at[pl.ds(0, NSAMP)])
            lane = lax.iota(jnp.int32, LANES)
            vals = jnp.where(lane < NSAMP, idx_v[...], 0)
            r = jnp.sum(jnp.where(lane == wid, vals, 0))
            base = pl.multiple_of((r >> 7) << 7, 128)
            col = r & 127
            pltpu.async_copy(
                table_hbm.at[:, pl.ds(base, 128)], win_v, sem
            ).wait()
            cols = jnp.full((LANES,), col, jnp.int32)
            for k in range(D // LANES):
                rows = lane + LANES * k
                row_v[0, pl.ds(LANES * k, LANES)] = plsc.load_gather(
                    win_v, [rows, cols]
                )
            pltpu.sync_copy(row_v, out_hbm.at[pl.ds(wid, 1)])

    return gather_k(table_t, idx_padded)


def _loss_body(c_ref, t_ref, s_ref, o_ref):
    i = pl.program_id(0)
    c = c_ref[...]
    t = t_ref[...]
    s = s_ref[...]
    pos = jnp.sum(c * t, axis=0)
    pos_l = jnp.maximum(-jnp.log(1.0 + jnp.exp(-pos)), LOG_EPS)
    neg = -lax.dot_general(s, c, (((1,), (0,)), ((), ())),
                           preferred_element_type=jnp.float32)
    neg_l = jnp.maximum(-jnp.log(1.0 + jnp.exp(-neg)), LOG_EPS)
    mask = lax.broadcasted_iota(jnp.int32, (NSAMP_PAD, BLOCK), 0) < NSAMP
    neg_l = jnp.where(mask, neg_l, 0.0)
    part = jnp.sum(pos_l) + jnp.sum(neg_l)

    @pl.when(i == 0)
    def _():
        o_ref[0, 0] = 0.0

    o_ref[0, 0] += part


def kernel(context, target, emb_table, neg_idx):
    b = context.shape[0]
    ct = context.T
    tt = target.T
    et = emb_table.T
    samples = _sc_gather(et, neg_idx.astype(jnp.int32))
    nblk = b // BLOCK
    out = pl.pallas_call(
        _loss_body,
        grid=(nblk,),
        in_specs=[
            pl.BlockSpec((D, BLOCK), lambda i: (0, i)),
            pl.BlockSpec((D, BLOCK), lambda i: (0, i)),
            pl.BlockSpec((NSAMP_PAD, D), lambda i: (0, 0)),
        ],
        out_specs=pl.BlockSpec((1, 1), lambda i: (0, 0),
                               memory_space=pltpu.SMEM),
        out_shape=jax.ShapeDtypeStruct((1, 1), jnp.float32),
    )(ct, tt, samples)
    return out[0, 0]

# --- scband reference (transcript-rebuilt; emitter-appended) ---
"""Pipeline reference for scband-sgnsloss-73787538145982 (READ-ONLY COPY).

The authoritative reference and input builder live on the scoring server;
editing this copy changes nothing except your own understanding.
"""

import jax, jax.numpy as jnp
import numpy as np

EPSILON = 1e-09
NUM_SAMPLES = 15


def setup_inputs(seed: int = 0) -> dict:
    key = jax.random.key(seed)
    k1, k2, k3, k4 = jax.random.split(key, 4)
    context = jax.random.normal(k1, (16384, 64), dtype=jnp.float32)
    target = jax.random.normal(k2, (16384, 64), dtype=jnp.float32)
    emb_table = jax.random.normal(k3, (100000, 64), dtype=jnp.float32)
    # Negative-sample indices: stand-in for np.random.choice over the unigram table
    # (unigram table entries are vocab indices in [0, vocab_len)).
    neg_idx = jax.random.randint(k4, (NUM_SAMPLES,), 0, 100000, dtype=jnp.int64) if jax.config.jax_enable_x64 else jax.random.randint(k4, (NUM_SAMPLES,), 0, 100000, dtype=jnp.int32)
    return {"context": context, "target": target, "emb_table": emb_table, "neg_idx": neg_idx}


def reference(context, target, emb_table, neg_idx):
    context = jnp.squeeze(context)
    target = jnpap if False else jnp.squeeze(target)
    # positive pairs
    dots = (context * target).sum(-1)
    log_targets = jnp.log(jnp.maximum(jax.nn.sigmoid(dots), EPSILON))
    # negative samples: gather NUM_SAMPLES embeddings from the table (SparseCore gather)
    samples = jnp.take(emb_table, neg_idx, axis=0)  # [NUM_SAMPLES, d]
    dot = ((-context)[None, :, :] * samples[:, None, :]).sum(-1)  # [NUM_SAMPLES, B]
    log_samples = jnp.log(jnp.maximum(jax.nn.sigmoid(dot), EPSILON)).sum(0)  # [B]
    return (log_targets + log_samples).sum()

if __name__ == "__main__":
    import jax
    _d = setup_inputs()
    print(jax.jit(kernel)(*tuple(_d.values())))

</pallas_src>

<mosaic_0001>
#map = affine_map<(d0, d1) -> (0, 0)>
#map1 = affine_map<(d0, d1) -> (0)>
module attributes {stable_mosaic.version = 14 : i64} {
  func.func @gather_k(%arg0: i32, %arg1: i32, %arg2: memref<64x100000xf32, #tpu.memory_space<hbm>>, %arg3: memref<15xi32, #tpu.memory_space<hbm>>, %arg4: memref<16x64xf32, #tpu.memory_space<hbm>>, %arg5: memref<16xi32, #tpu.memory_space<vmem>>, %arg6: memref<64x128xf32, #tpu.memory_space<vmem>>, %arg7: memref<1x64xf32, #tpu.memory_space<vmem>>, %arg8: memref<!tpu.dma_semaphore, #tpu.memory_space<semaphore_mem>>) attributes {dimension_semantics = [#tpu.dimension_semantics<core_parallel>, #tpu.dimension_semantics<subcore_parallel>], iteration_bounds = array<i64: 1, 16>, scalar_prefetch = 0 : i64, scratch_operands = 4 : i64, tpu.core_type = #tpu.core_type<sc_vector_subcore>, window_params = [{transform_indices = #map}, {transform_indices = #map1}, {transform_indices = #map}]} {
    %mul3A = arith.constant 0 : i32
    %mul3A_0 = arith.muli %arg0, %mul3A : i32
    %add3A = arith.addi %arg1, %mul3A_0 : i32
    %lt3A = arith.constant 16 : i32
    %lt3A_1 = arith.cmpi slt, %add3A, %lt3A : i32
    %convert_element_type3A = arith.extui %lt3A_1 : i1 to i32
    %cond3A = arith.constant 0 : i32
    %cond3A_2 = arith.cmpi ne, %convert_element_type3A, %cond3A : i32
    scf.if %cond3A_2 {
      "tpu.region"() ({
        %run_scoped3A = tpu.sem_alloc : memref<!tpu.dma_semaphore, #tpu.memory_space<semaphore_mem>>
        %dma_start3A_54 = arith.constant 0 : i32
        %dma_start3A_55 = tpu.memref_slice %arg5[%dma_start3A_54] : memref<16xi32, #tpu.memory_space<vmem>> -> memref<15xi32, #tpu.memory_space<vmem>>
        %dma_start3A_56 = arith.constant 0 : i32
        %dma_start3A_57 = tpu.memref_slice %arg5[%dma_start3A_56] : memref<16xi32, #tpu.memory_space<vmem>> -> memref<15xi32, #tpu.memory_space<vmem>>
        tpu.enqueue_dma source(%arg3 : memref<15xi32, #tpu.memory_space<hbm>>) target(%dma_start3A_57 : memref<15xi32, #tpu.memory_space<vmem>>) target_semaphore(%run_scoped3A : memref<!tpu.dma_semaphore, #tpu.memory_space<semaphore_mem>>)
        %dma_wait3A_58 = arith.constant 0 : i32
        %dma_wait3A_59 = tpu.memref_slice %arg5[%dma_wait3A_58] : memref<16xi32, #tpu.memory_space<vmem>> -> memref<15xi32, #tpu.memory_space<vmem>>
        %dma_wait3A_60 = arith.constant 0 : i32
        %dma_wait3A_61 = tpu.memref_slice %arg5[%dma_wait3A_60] : memref<16xi32, #tpu.memory_space<vmem>> -> memref<15xi32, #tpu.memory_space<vmem>>
        tpu.wait_dma2 semaphore(%run_scoped3A : memref<!tpu.dma_semaphore, #tpu.memory_space<semaphore_mem>>) src(%arg3 : memref<15xi32, #tpu.memory_space<hbm>>) dst(%dma_wait3A_61 : memref<15xi32, #tpu.memory_space<vmem>>)
        tpu.yield
      }) : () -> ()
      %iota3A = tpu.iota {dimensions = array<i32: 0>} : vector<16xi32>
      %lt3A_3 = arith.constant 15 : i32
      %lt3A_4 = vector.broadcast %lt3A_3 : i32 to vector<16xi32>
      %lt3A_5 = arith.cmpi slt, %iota3A, %lt3A_4 : vector<16xi32>
      %get3A = arith.constant 0 : index
      %get3A_6 = tpu.vector_load %arg5[%get3A] {strides = array<i32>} : memref<16xi32, #tpu.memory_space<vmem>>, vector<16xi32>,
      %jit3A = arith.constant 0 : i32
      %broadcast_in_dim3A = vector.broadcast %jit3A : i32 to vector<16xi32>
      %select_n3A = arith.select %lt3A_5, %get3A_6, %broadcast_in_dim3A : vector<16xi1>, vector<16xi32>
      %eq3A = vector.broadcast %add3A : i32 to vector<16xi32>
      %eq3A_7 = arith.cmpi eq, %iota3A, %eq3A : vector<16xi32>
      %jit3A_8 = arith.constant 0 : i32
      %broadcast_in_dim3A_9 = vector.broadcast %jit3A_8 : i32 to vector<16xi32>
      %select_n3A_10 = arith.select %eq3A_7, %select_n3A, %broadcast_in_dim3A_9 : vector<16xi1>, vector<16xi32>
      %reduce_sum3A = arith.constant true
      %reduce_sum3A_11 = vector.broadcast %reduce_sum3A : i1 to vector<16xi1>
      %reduce_sum3A_12 = tpu.scan <sum>, %select_n3A_10 masked %reduce_sum3A_11 : vector<16xi32>, vector<16xi1> -> vector<16xi32>
      %reduce_sum3A_13 = vector.extract %reduce_sum3A_12[15] : i32 from vector<16xi32>
      %shift_right_arithmetic3A = arith.constant 7 : i32
      %shift_right_arithmetic3A_14 = arith.shrsi %reduce_sum3A_13, %shift_right_arithmetic3A : i32
      %shift_left3A = arith.constant 7 : i32
      %shift_left3A_15 = arith.shli %shift_right_arithmetic3A_14, %shift_left3A : i32
      %multiple_of3A = tpu.assume_multiple %shift_left3A_15, 128 : i32
      %and3A = arith.constant 127 : i32
      %and3A_16 = arith.andi %reduce_sum3A_13, %and3A : i32
      %dma_start3A = arith.constant 0 : i32
      %dma_start3A_17 = tpu.memref_slice %arg2[%dma_start3A, %multiple_of3A] : memref<64x100000xf32, #tpu.memory_space<hbm>> -> memref<64x128xf32, #tpu.memory_space<hbm>>
      %dma_start3A_18 = arith.constant 0 : i32
      %dma_start3A_19 = tpu.memref_slice %arg2[%dma_start3A_18, %multiple_of3A] : memref<64x100000xf32, #tpu.memory_space<hbm>> -> memref<64x128xf32, #tpu.memory_space<hbm>>
      tpu.enqueue_dma source(%dma_start3A_19 : memref<64x128xf32, #tpu.memory_space<hbm>>) target(%arg6 : memref<64x128xf32, #tpu.memory_space<vmem>>) target_semaphore(%arg8 : memref<!tpu.dma_semaphore, #tpu.memory_space<semaphore_mem>>)
      %dma_wait3A = arith.constant 0 : i32
      %dma_wait3A_20 = tpu.memref_slice %arg2[%dma_wait3A, %multiple_of3A] : memref<64x100000xf32, #tpu.memory_space<hbm>> -> memref<64x128xf32, #tpu.memory_space<hbm>>
      %dma_wait3A_21 = arith.constant 0 : i32
      %dma_wait3A_22 = tpu.memref_slice %arg2[%dma_wait3A_21, %multiple_of3A] : memref<64x100000xf32, #tpu.memory_space<hbm>> -> memref<64x128xf32, #tpu.memory_space<hbm>>
      tpu.wait_dma2 semaphore(%arg8 : memref<!tpu.dma_semaphore, #tpu.memory_space<semaphore_mem>>) src(%dma_wait3A_22 : memref<64x128xf32, #tpu.memory_space<hbm>>) dst(%arg6 : memref<64x128xf32, #tpu.memory_space<vmem>>)
      %broadcast_in_dim3A_23 = vector.broadcast %and3A_16 : i32 to vector<16xi32>
      %add3A_24 = arith.constant 0 : i32
      %add3A_25 = vector.broadcast %add3A_24 : i32 to vector<16xi32>
      %add3A_26 = arith.addi %iota3A, %add3A_25 : vector<16xi32>
      %gather3A = tpu.vector_load_idx %arg6[%add3A_26, %broadcast_in_dim3A_23] : memref<64x128xf32, #tpu.memory_space<vmem>>[vector<16xi32>, vector<16xi32>], vector<16xf32>,
      %swap3A = arith.constant 0 : i32
      %swap3A_27 = arith.index_cast %swap3A : i32 to index
      %swap3A_28 = arith.constant 0 : index
      %swap3A_29 = tpu.vector_load %arg7[%swap3A_27, %swap3A_28] {strides = array<i32>} : memref<1x64xf32, #tpu.memory_space<vmem>>, vector<16xf32>,
      tpu.vector_store %arg7[%swap3A_27, %swap3A_28], %gather3A {strides = array<i32>} : memref<1x64xf32, #tpu.memory_space<vmem>>, vector<16xf32>,
      %add3A_30 = arith.constant 16 : i32
      %add3A_31 = vector.broadcast %add3A_30 : i32 to vector<16xi32>
      %add3A_32 = arith.addi %iota3A, %add3A_31 : vector<16xi32>
      %gather3A_33 = tpu.vector_load_idx %arg6[%add3A_32, %broadcast_in_dim3A_23] : memref<64x128xf32, #tpu.memory_space<vmem>>[vector<16xi32>, vector<16xi32>], vector<16xf32>,
      %swap3A_34 = arith.constant 0 : i32
      %swap3A_35 = arith.index_cast %swap3A_34 : i32 to index
      %swap3A_36 = arith.constant 16 : index
      %swap3A_37 = tpu.vector_load %arg7[%swap3A_35, %swap3A_36] {strides = array<i32>} : memref<1x64xf32, #tpu.memory_space<vmem>>, vector<16xf32>,
      tpu.vector_store %arg7[%swap3A_35, %swap3A_36], %gather3A_33 {strides = array<i32>} : memref<1x64xf32, #tpu.memory_space<vmem>>, vector<16xf32>,
      %add3A_38 = arith.constant 32 : i32
      %add3A_39 = vector.broadcast %add3A_38 : i32 to vector<16xi32>
      %add3A_40 = arith.addi %iota3A, %add3A_39 : vector<16xi32>
      %gather3A_41 = tpu.vector_load_idx %arg6[%add3A_40, %broadcast_in_dim3A_23] : memref<64x128xf32, #tpu.memory_space<vmem>>[vector<16xi32>, vector<16xi32>], vector<16xf32>,
      %swap3A_42 = arith.constant 0 : i32
      %swap3A_43 = arith.index_cast %swap3A_42 : i32 to index
      %swap3A_44 = arith.constant 32 : index
      %swap3A_45 = tpu.vector_load %arg7[%swap3A_43, %swap3A_44] {strides = array<i32>} : memref<1x64xf32, #tpu.memory_space<vmem>>, vector<16xf32>,
      tpu.vector_store %arg7[%swap3A_43, %swap3A_44], %gather3A_41 {strides = array<i32>} : memref<1x64xf32, #tpu.memory_space<vmem>>, vector<16xf32>,
      %add3A_46 = arith.constant 48 : i32
      %add3A_47 = vector.broadcast %add3A_46 : i32 to vector<16xi32>
      %add3A_48 = arith.addi %iota3A, %add3A_47 : vector<16xi32>
      %gather3A_49 = tpu.vector_load_idx %arg6[%add3A_48, %broadcast_in_dim3A_23] : memref<64x128xf32, #tpu.memory_space<vmem>>[vector<16xi32>, vector<16xi32>], vector<16xf32>,
      %swap3A_50 = arith.constant 0 : i32
      %swap3A_51 = arith.index_cast %swap3A_50 : i32 to index
      %swap3A_52 = arith.constant 48 : index
      %swap3A_53 = tpu.vector_load %arg7[%swap3A_51, %swap3A_52] {strides = array<i32>} : memref<1x64xf32, #tpu.memory_space<vmem>>, vector<16xf32>,
      tpu.vector_store %arg7[%swap3A_51, %swap3A_52], %gather3A_49 {strides = array<i32>} : memref<1x64xf32, #tpu.memory_space<vmem>>, vector<16xf32>,
      "tpu.region"() ({
        %run_scoped3A = tpu.sem_alloc : memref<!tpu.dma_semaphore, #tpu.memory_space<semaphore_mem>>
        %dma_start3A_54 = arith.constant 0 : i32
        %dma_start3A_55 = tpu.memref_slice %arg4[%add3A, %dma_start3A_54] : memref<16x64xf32, #tpu.memory_space<hbm>> -> memref<1x64xf32, #tpu.memory_space<hbm>>
        %dma_start3A_56 = arith.constant 0 : i32
        %dma_start3A_57 = tpu.memref_slice %arg4[%add3A, %dma_start3A_56] : memref<16x64xf32, #tpu.memory_space<hbm>> -> memref<1x64xf32, #tpu.memory_space<hbm>>
        tpu.enqueue_dma source(%arg7 : memref<1x64xf32, #tpu.memory_space<vmem>>) target(%dma_start3A_57 : memref<1x64xf32, #tpu.memory_space<hbm>>) target_semaphore(%run_scoped3A : memref<!tpu.dma_semaphore, #tpu.memory_space<semaphore_mem>>)
        %dma_wait3A_58 = arith.constant 0 : i32
        %dma_wait3A_59 = tpu.memref_slice %arg4[%add3A, %dma_wait3A_58] : memref<16x64xf32, #tpu.memory_space<hbm>> -> memref<1x64xf32, #tpu.memory_space<hbm>>
        %dma_wait3A_60 = arith.constant 0 : i32
        %dma_wait3A_61 = tpu.memref_slice %arg4[%add3A, %dma_wait3A_60] : memref<16x64xf32, #tpu.memory_space<hbm>> -> memref<1x64xf32, #tpu.memory_space<hbm>>
        tpu.wait_dma2 semaphore(%run_scoped3A : memref<!tpu.dma_semaphore, #tpu.memory_space<semaphore_mem>>) src(%arg7 : memref<1x64xf32, #tpu.memory_space<vmem>>) dst(%dma_wait3A_61 : memref<1x64xf32, #tpu.memory_space<hbm>>)
        tpu.yield
      }) : () -> ()
    } else {
    }
    return
  }
}

module attributes {stable_mosaic.version = 14 : i64} {
  func.func @_loss_body(%arg0: i32, %arg1: memref<64x8192xf32, #tpu.memory_space<vmem>>, %arg2: memref<64x8192xf32, #tpu.memory_space<vmem>>, %arg3: memref<16x64xf32, #tpu.memory_space<vmem>>, %arg4: memref<1x1xf32, #tpu.memory_space<smem>>) attributes {dimension_semantics = [#tpu.dimension_semantics<arbitrary>], iteration_bounds = array<i64: 2>, scalar_prefetch = 0 : i64, scratch_operands = 0 : i64, tpu.core_type = #tpu.core_type<tc>, window_params = [{transform_indices = @transform_0, window_bounds = array<i64: 64, 8192>}, {transform_indices = @transform_1, window_bounds = array<i64: 64, 8192>}, {pipeline_mode = #tpu.pipeline_mode<synchronous>, transform_indices = @transform_2, window_bounds = array<i64: 16, 64>}, {transform_indices = @transform_3, window_bounds = array<i64: 1, 1>}]} {
    %get3A = arith.constant 0 : index
    %get3A_0 = arith.constant 0 : index
    %get3A_1 = vector.load %arg1[%get3A, %get3A_0] : memref<64x8192xf32, #tpu.memory_space<vmem>>, vector<64x8192xf32>
    %get3A_2 = arith.constant 0 : index
    %get3A_3 = arith.constant 0 : index
    %get3A_4 = vector.load %arg2[%get3A_2, %get3A_3] : memref<64x8192xf32, #tpu.memory_space<vmem>>, vector<64x8192xf32>
    %get3A_5 = arith.constant 0 : index
    %get3A_6 = arith.constant 0 : index
    %get3A_7 = vector.load %arg3[%get3A_5, %get3A_6] : memref<16x64xf32, #tpu.memory_space<vmem>>, vector<16x64xf32>
    %mul3A = arith.mulf %get3A_1, %get3A_4 : vector<64x8192xf32>
    %reduce_sum3A = arith.constant dense<0.000000e+00> : vector<8192xf32>
    %reduce_sum3A_8 = vector.multi_reduction <add>, %mul3A, %reduce_sum3A [0] : vector<64x8192xf32> to vector<8192xf32>
    %neg3A = arith.constant 0.000000e+00 : f32
    %neg3A_9 = vector.broadcast %neg3A : f32 to vector<8192xf32>
    %neg3A_10 = arith.subf %neg3A_9, %reduce_sum3A_8 : vector<8192xf32>
    %exp3A = math.exp %neg3A_10 : vector<8192xf32>
    %add3A = arith.constant 1.000000e+00 : f32
    %add3A_11 = vector.broadcast %add3A : f32 to vector<8192xf32>
    %add3A_12 = arith.addf %add3A_11, %exp3A : vector<8192xf32>
    %log3A = math.log %add3A_12 : vector<8192xf32>
    %neg3A_13 = arith.constant 0.000000e+00 : f32
    %neg3A_14 = vector.broadcast %neg3A_13 : f32 to vector<8192xf32>
    %neg3A_15 = arith.subf %neg3A_14, %log3A : vector<8192xf32>
    %max3A = arith.constant -20.7232666 : f32
    %max3A_16 = vector.broadcast %max3A : f32 to vector<8192xf32>
    %max3A_17 = arith.maximumf %neg3A_15, %max3A_16 : vector<8192xf32>
    %dot_general3A = arith.constant dense<0.000000e+00> : vector<16x8192xf32>
    %dot_general3A_18 = tpu.matmul %get3A_7, %get3A_1, %dot_general3A {dimension_numbers = #tpu.dot_dimension_numbers<[1], [0], [0], [1], [0, 0, 1, 1], [], []>, transpose_lhs_hint = false} : vector<16x64xf32>, vector<64x8192xf32>, vector<16x8192xf32> -> vector<16x8192xf32>
    %neg3A_19 = arith.constant 0.000000e+00 : f32
    %neg3A_20 = vector.broadcast %neg3A_19 : f32 to vector<16x8192xf32>
    %neg3A_21 = arith.subf %neg3A_20, %dot_general3A_18 : vector<16x8192xf32>
    %neg3A_22 = arith.constant 0.000000e+00 : f32
    %neg3A_23 = vector.broadcast %neg3A_22 : f32 to vector<16x8192xf32>
    %neg3A_24 = arith.subf %neg3A_23, %neg3A_21 : vector<16x8192xf32>
    %exp3A_25 = math.exp %neg3A_24 : vector<16x8192xf32>
    %add3A_26 = arith.constant 1.000000e+00 : f32
    %add3A_27 = vector.broadcast %add3A_26 : f32 to vector<16x8192xf32>
    %add3A_28 = arith.addf %add3A_27, %exp3A_25 : vector<16x8192xf32>
    %log3A_29 = math.log %add3A_28 : vector<16x8192xf32>
    %neg3A_30 = arith.constant 0.000000e+00 : f32
    %neg3A_31 = vector.broadcast %neg3A_30 : f32 to vector<16x8192xf32>
    %neg3A_32 = arith.subf %neg3A_31, %log3A_29 : vector<16x8192xf32>
    %max3A_33 = arith.constant -20.7232666 : f32
    %max3A_34 = vector.broadcast %max3A_33 : f32 to vector<16x8192xf32>
    %max3A_35 = arith.maximumf %neg3A_32, %max3A_34 : vector<16x8192xf32>
    %iota3A = tpu.iota {dimensions = array<i32: 0>} : vector<16x8192xi32>
    %lt3A = arith.constant 15 : i32
    %lt3A_36 = vector.broadcast %lt3A : i32 to vector<16x8192xi32>
    %lt3A_37 = arith.cmpi slt, %iota3A, %lt3A_36 : vector<16x8192xi32>
    %jit3A = arith.constant 0.000000e+00 : f32
    %broadcast_in_dim3A = vector.broadcast %jit3A : f32 to vector<16x8192xf32>
    %select_n3A = arith.select %lt3A_37, %max3A_35, %broadcast_in_dim3A : vector<16x8192xi1>, vector<16x8192xf32>
    %reduce_sum3A_38 = vector.shape_cast %max3A_17 : vector<8192xf32> to vector<1x8192xf32>
    %reduce_sum3A_39 = arith.constant dense<0.000000e+00> : vector<1xf32>
    %reduce_sum3A_40 = vector.multi_reduction <add>, %reduce_sum3A_38, %reduce_sum3A_39 [1] : vector<1x8192xf32> to vector<1xf32>
    %reduce_sum3A_41 = vector.shape_cast %reduce_sum3A_40 : vector<1xf32> to vector<1x1xf32>
    %reduce_sum3A_42 = vector.extract %reduce_sum3A_41[0, 0] : f32 from vector<1x1xf32>
    %reduce_sum3A_43 = vector.shape_cast %select_n3A : vector<16x8192xf32> to vector<1x16x8192xf32>
    %reduce_sum3A_44 = arith.constant dense<0.000000e+00> : vector<1xf32>
    %reduce_sum3A_45 = vector.multi_reduction <add>, %reduce_sum3A_43, %reduce_sum3A_44 [1, 2] : vector<1x16x8192xf32> to vector<1xf32>
    %reduce_sum3A_46 = vector.shape_cast %reduce_sum3A_45 : vector<1xf32> to vector<1x1x1xf32>
    %reduce_sum3A_47 = vector.extract %reduce_sum3A_46[0, 0, 0] : f32 from vector<1x1x1xf32>
    %add3A_48 = arith.addf %reduce_sum3A_42, %reduce_sum3A_47 : f32
    %eq3A = arith.constant 0 : i32
    %eq3A_49 = arith.cmpi eq, %arg0, %eq3A : i32
    %convert_element_type3A = arith.extui %eq3A_49 : i1 to i32
    %cond3A = arith.constant 0 : i32
    %cond3A_50 = arith.cmpi ne, %convert_element_type3A, %cond3A : i32
    scf.if %cond3A_50 {
      %swap3A_57 = arith.constant 0.000000e+00 : f32
      %swap3A_58 = arith.constant 0 : index
      %swap3A_59 = arith.constant 0 : index
      %swap3A_60 = memref.load %arg4[%swap3A_58, %swap3A_59] : memref<1x1xf32, #tpu.memory_space<smem>>
      memref.store %swap3A_57, %arg4[%swap3A_58, %swap3A_59] : memref<1x1xf32, #tpu.memory_space<smem>>
    } else {
    }
    %get3A_51 = arith.constant 0 : index
    %get3A_52 = arith.constant 0 : index
    %get3A_53 = memref.load %arg4[%get3A_51, %get3A_52] : memref<1x1xf32, #tpu.memory_space<smem>>
    %add3A_54 = arith.addf %get3A_53, %add3A_48 : f32
    %swap3A = arith.constant 0 : index
    %swap3A_55 = arith.constant 0 : index
    %swap3A_56 = memref.load %arg4[%swap3A, %swap3A_55] : memref<1x1xf32, #tpu.memory_space<smem>>
    memref.store %add3A_54, %arg4[%swap3A, %swap3A_55] : memref<1x1xf32, #tpu.memory_space<smem>>
    return
  }
  func.func @transform_0(%arg0: i32) -> (i32, i32) {
    %c0_i32 = arith.constant 0 : i32
    %c0_i32_0 = arith.constant 0 : i32
    return %c0_i32, %arg0 : i32, i32
  }
  func.func @transform_1(%arg0: i32) -> (i32, i32) {
    %c0_i32 = arith.constant 0 : i32
    %c0_i32_0 = arith.constant 0 : i32
    return %c0_i32, %arg0 : i32, i32
  }
  func.func @transform_2(%arg0: i32) -> (i32, i32) {
    %c0_i32 = arith.constant 0 : i32
    %c0_i32_0 = arith.constant 0 : i32
    %c0_i32_1 = arith.constant 0 : i32
    return %c0_i32, %c0_i32_0 : i32, i32
  }
  func.func @transform_3(%arg0: i32) -> (i32, i32) {
    %c0_i32 = arith.constant 0 : i32
    %c0_i32_0 = arith.constant 0 : i32
    %c0_i32_1 = arith.constant 0 : i32
    return %c0_i32, %c0_i32_0 : i32, i32
  }
}

</mosaic_0001>

<sc_bundles>
// kernel: kernel.4.cloned.1.call-start
scs
__scs_entry_jumppad:
0x0: {  	(pc) =	sbr.rel $0x88, $3  }
0x1: {  	(tag) =	ssettag $0x0;
	lr =	simm.s32 $0x1  }
0x2: {  	[smem:$0x3F9D] =	sst lr;
	_ =	strace $0xD0000000  }
0x3: {  	_ = 	snop  }
0x4: {  	_ = 	snop  }
0x5: {  	_ = 	snop  }
0x6: {  	_ = 	snop  }
0x7: {  	_ = 	snop  }
__scs_overlays_trampoline_lowered:
0x8: {  	[smem:$0x3FAC] =	sst s0  }
0x9: {  	[smem:$0x3FAD] =	sst s1  }
0xa: {  	[smem:$0x3FAE] =	sst s2  }
0xb: {  	[smem:$0x3FAF] =	sst s3  }
0xc: {  	[smem:$0x3FB0] =	sst s4  }
0xd: {  	[smem:$0x3FB1] =	sst s5  }
0xe: {  	[smem:$0x3FB2] =	sst s6  }
0xf: {  	[smem:$0x3FB3] =	sst s7  }
0x10: {  	[smem:$0x3FB4] =	sst s8  }
0x11: {  	[smem:$0x3FB5] =	sst s9;
	s0 =	simm.s32 @!p0 $0x0  }
0x12: {  	s1 =	sld [smem:$0x3F9B];
	s0 =	simm.s32 @p0 $0x1  }
0x13: {  	[smem:$0x3FB6] =	sst s0;
	s0 =	simm.s32 @!p1 $0x0  }
0x14: {  	s2 =	sld [smem:$0x3F9A];
	s0 =	simm.s32 @p1 $0x1  }
0x15: {  	[smem:$0x3FB7] =	sst s0;
	s0 =	simm.s32 @!p2 $0x0  }
0x16: {  	s3 =	sld [smem:$0x3FDB];
	s0 =	simm.s32 @p2 $0x1  }
0x17: {  	s4 =	simm.s32 $0x1BF5;
	[smem:$0x3FB9] =	sst s0  }
0x18: {  	s0 =	sld [smem:$0x3F9C];
	_ =	swait.ge [sflag:s4], $0x0  }
0x19: {  	s7 =	sld [smem:$0x3F9D]  }
0x1a: {  	s8 =	sadd.s32 $0xFFFFE003, lr  }
0x1b: {  	s9 =	sadd.s32 $0xFFFFFEF7, lr;
	s5 =	simm.s32 $0xFFFFFFFF;
	p2 =	slt.u32 s8, $0xFFFFF086  }
0x1c: {  	p1 =	slt.u32 s9, $0xF7A;
	s5 =	simm.s32 @!p2 $0x0  }
0x1d: {  	s5 =	simm.s32 @p1 $0x1;
	p0 =	seq.s32 s7, s2  }
0x1e: {  	s7 =	smul.u32 @!p0 $0xF7A, s2;
	p2 =	seq.s32 @!p0 s5, $0x0  }
0x1f: {  	s9 =	smul.u32 $0xF7A, s1;
	s8 =	simm.s32 @!p0 $0x1BF5;
	p2 =	por !p2, p0  }
0x20: {  	[sflag:s8] =	ssyncset.s32 @!p0 $0xFFFFF086;
	s6 =	sadd.s32 @!p0 s3, s7;
	s7 =	simm.s32 @!p0 $0x108  }
0x21: {  	s3 =	sadd.s32 s3, s9;
	s6 =	sadd.s32 @!p0 $0x88, s6;
	s7 =	simm.s32 @p2 $0x1082  }
0x22: {  	[simem:s7], [sflag:s8] =	dma.local @!p0 [hbm:s6], $0xF7A  }
0x23: {  	s9 =	sor.u32 $0xD0000000, s2;
	s6 =	simm.s32 $0x108;
	_ =	swait.ge @!p0 [sflag:s8], $0x0  }
0x24: {  	s3 =	sadd.s32 $0x88, s3;
	s6 =	simm.s32 @!p1 $0x1082;
	[sflag:s4] =	ssyncset.s32 $0xFFFFF086  }
0x25: {  	[simem:s6], [sflag:s4] =	dma.local [hbm:s3], $0xF7A  }
0x26: {  	[smem:$0x3F9D] =	sst s1;
	(tag) =	ssettag s2;
	_ =	strace s9  }
0x27: {  	s1 =	sld [smem:$0x3FAD]  }
0x28: {  	s2 =	sld [smem:$0x3FAE]  }
0x29: {  	s4 =	sld [smem:$0x3FB0]  }
0x2a: {  	p0 =	seq.s32 s5, $0x0;
	s5 =	sld [smem:$0x3FB1]  }
0x2b: {  	s6 =	sld [smem:$0x3FB2]  }
0x2c: {  	s7 =	sld [smem:$0x3FB3]  }
0x2d: {  	s3 =	simm.s32 $0x108;
	s8 =	sld [smem:$0x3FB4]  }
0x2e: {  	s3 =	simm.s32 @!p0 $0x1082;
	s9 =	sld [smem:$0x3FB5]  }
0x2f: {  	lr =	sadd.s32 s0, s3;
	s0 =	sld [smem:$0x3FAC]  }
0x30: {  	s3 =	sld [smem:$0x3FAF]  }
0x31: {  	[smem:$0x3FB8] =	sst s10  }
0x32: {  	s10 =	sld [smem:$0x3FB6];
	_ =	sdelay $0x3  }
0x33: {  	p0 =	seq.s32 s10, $0x1;
	s10 =	sld [smem:$0x3FB8];
	_ =	sdelay $0x3  }
0x34: {  	[smem:$0x3FB8] =	sst s10  }
0x35: {  	s10 =	sld [smem:$0x3FB7];
	_ =	sdelay $0x3  }
0x36: {  	p1 =	seq.s32 s10, $0x1;
	s10 =	sld [smem:$0x3FB8];
	_ =	sdelay $0x3  }
0x37: {  	[smem:$0x3FB8] =	sst s10  }
0x38: {  	s10 =	sld [smem:$0x3FB9]  }
0x39: {  	_ = 	snop;
	(pc) =	sbr.ind lr, $3  }
0x3a: {  	_ = 	snop  }
0x3b: {  	_ = 	snop  }
0x3c: {  	p2 =	seq.s32 s10, $0x1;
	s10 =	sld [smem:$0x3FB8]  }
0x3d: {  	_ =	shalt  }
0x3e: {  	_ =	shalt  }
0x3f: {  	_ =	shalt  }
0x40: {  	_ =	shalt  }
0x41: {  	_ =	shalt  }
0x42: {  	_ =	shalt  }
0x43: {  	_ =	shalt  }
0x44: {  	_ =	shalt  }
0x45: {  	_ =	shalt  }
0x46: {  	_ =	shalt  }
0x47: {  	_ =	shalt  }
0x48: {  	_ =	shalt  }
0x49: {  	_ =	shalt  }
0x4a: {  	_ =	shalt  }
0x4b: {  	_ =	shalt  }
0x4c: {  	_ =	shalt  }
0x4d: {  	_ =	shalt  }
0x4e: {  	_ =	shalt  }
0x4f: {  	_ =	shalt  }
0x50: {  	_ =	shalt  }
0x51: {  	_ =	shalt  }
0x52: {  	_ =	shalt  }
0x53: {  	_ =	shalt  }
0x54: {  	_ =	shalt  }
0x55: {  	_ =	shalt  }
0x56: {  	_ =	shalt  }
0x57: {  	_ =	shalt  }
0x58: {  	_ =	shalt  }
0x59: {  	_ =	shalt  }
0x5a: {  	_ =	shalt  }
0x5b: {  	_ =	shalt  }
0x5c: {  	_ =	shalt  }
0x5d: {  	_ =	shalt  }
0x5e: {  	_ =	shalt  }
0x5f: {  	_ =	shalt  }
0x60: {  	_ =	shalt  }
0x61: {  	_ =	shalt  }
0x62: {  	_ =	shalt  }
0x63: {  	_ =	shalt  }
0x64: {  	_ =	shalt  }
0x65: {  	_ =	shalt  }
0x66: {  	_ =	shalt  }
0x67: {  	_ =	shalt  }
0x68: {  	_ =	shalt  }
0x69: {  	_ =	shalt  }
0x6a: {  	_ =	shalt  }
0x6b: {  	_ =	shalt  }
0x6c: {  	_ =	shalt  }
0x6d: {  	_ =	shalt  }
0x6e: {  	_ =	shalt  }
0x6f: {  	_ =	shalt  }
0x70: {  	_ =	shalt  }
0x71: {  	_ =	shalt  }
0x72: {  	_ =	shalt  }
0x73: {  	_ =	shalt  }
0x74: {  	_ =	shalt  }
0x75: {  	_ =	shalt  }
0x76: {  	_ =	shalt  }
0x77: {  	_ =	shalt  }
0x78: {  	_ =	shalt  }
0x79: {  	_ =	shalt  }
0x7a: {  	_ =	shalt  }
0x7b: {  	_ =	shalt  }
0x7c: {  	_ =	shalt  }
0x7d: {  	_ =	shalt  }
0x7e: {  	_ =	shalt  }
0x7f: {  	_ =	shalt  }
0x80: {  	_ =	shalt  }
0x81: {  	_ =	shalt  }
0x82: {  	_ =	shalt  }
0x83: {  	_ =	shalt  }
0x84: {  	_ =	shalt  }
0x85: {  	_ =	shalt  }
0x86: {  	_ =	shalt  }
0x87: {  	_ =	shalt  }
.Lfunc_end0:
.L_simem_size_0:
called_computation_lowered:
.L_overlay_start_0:
0x88: {  	s0 =	sld [smem:$0x3FD9]  }
0x89: {  	s1 =	sld [smem:$0x3FFE];
	_ =	sdelay $0x3  }
0x8a: {  	s0 =	sadd.s32 s1, s0  }
0x8b: {  	[smem:$0x3FC4] =	sst s0  }
0x8c: {  	_ = 	snop  }
0x8d: {  	s0 =	sld [smem:$0x3FC7]  }
0x8e: {  	s16 =	sld [smem:$0x3FC6];
	(tm) =	ssettm $0x1  }
0x8f: {  	s2 =	sld [smem:$0x3FFB];
	_ =	sdelay $0x3  }
0x90: {  	_ =	strace s2  }
0x91: {  	s2 =	sld [smem:$0x3FFC];
	_ =	sdelay $0x3  }
0x92: {  	_ =	strace s2  }
0x93: {  	s2 =	sld [smem:$0x3FFD];
	_ =	sdelay $0x3  }
0x94: {  	_ =	strace s2  }
0x95: {  	_ =	strace $0x8FFFFFFF  }
0x96: {  	s17 =	sld [smem:$0x3FDB];
	_ =	sdelay $0x1  }
0x97: {  	s3 =	simm.s32 $_scs_section_size  }
0x98: {  	s4 =	simm.s32 $_size__tile_overlayer_lowered;
	s5 =	simm.s32 $_tile_overlayer_lowered  }
0x99: {  	s20 =	simm.s32 $0x1BFF;
	s19 =	sshll.u32 s5, $0x1;
	s2 =	sadd.s32 s3, s17  }
0x9a: {  	s6 =	simm.s32 $0x0;
	s18 =	sshll.u32 s4, $0x1;
	s4 =	sadd.s32 s19, s2  }
0x9b: {  	[timem:s6], [sflag:s20] =	dma.local [hbm:s4], s18  }
0x9c: {  	_ =	swait.ge [sflag:s20], s18  }
0x9d: {  	s3 =	ssub.s32 $0x0, s18;
	[sflag:s20] =	ssyncset.done $0x0  }
0x9e: {  	[sflag:s20] =	ssyncadd.s32 s3;
	_ =	sdelay $0x1  }
0x9f: {  	s21 =	simm.s32 $0x1B8B  }
0xa0: {  	_ =	swait.ge [sflag:s21], $0x1  }
0xa1: {  	[sflag:s21] =	ssyncset.done $0x0  }
0xa2: {  	s23 =	simm.s32 $0x1B8E;
	s22 =	sld [smem:$0x3FFE];
	[sflag:s21] =	ssyncadd.s32 $0xFFFFFFFF  }
0xa3: {  	s24 =	simm.s32 $execute0_lowered;
	[smem:$0x3FD2] =	sst s23  }
0xa4: {  	s4 =	sshll.u32 s24, $0x1;
	_ =	strace $0x80000046;
	[dreg:$0x1] =	wrdreg $0xFFFFFFFF  }
0xa5: {  	s25 =	simm.s32 $_size_execute0_lowered;
	s2 =	sadd.s32 s2, s4;
	[dreg:$0x0] =	wrdreg $0x0  }
0xa6: {  	s4 =	sshll.u32 s25, $0x1;
	[dreg:$0x2] =	wrdreg s2  }
0xa7: {  	[dreg:$0x3] =	wrdreg s4  }
0xa8: {  	[dreg:$0x4] =	wrdreg $0xC0  }
0xa9: {  	_ =	task [dreg:s6], $0x5FFFF  }
0xaa: {  	[dreg:$0x1] =	wrdreg $0xFFFFFFFF  }
0xab: {  	[dreg:$0x0] =	wrdreg $0x60  }
0xac: {  	[dreg:$0x2] =	wrdreg s0  }
0xad: {  	[dreg:$0x3] =	wrdreg s16  }
0xae: {  	[dreg:$0x4] =	wrdreg s22  }
0xaf: {  	[dreg:$0x5] =	wrdreg $0x9  }
0xb0: {  	_ =	task.clear_ibuf [dreg:s6], $0x6FFFF;
	_ =	strace $0x90000046  }
0xb1: {  	s26 =	simm.s32 $0x9;
	_ =	strace $0x80000048  }
0xb2: {  	_ =	swait.ge [sflag:s26], $0x1  }
0xb3: {  	[sflag:s26] =	ssyncadd.s32 $0xFFFFFFFF  }
0xb4: {  	_ =	strace $0x90000048  }
0xb5: {  	_ =	sfence  }
0xb6: {  	s28 =	sld [smem:$0x0];
	_ =	sdelay $0x1  }
0xb7: {  	s29 =	srdreg.scid  }
0xb8: {  	s30 =	sshll.u32 s29, $0xD;
	s31 =	sshrl.u32 s29, $0x2  }
0xb9: {  	s1 =	sand.u32 $0x1, s29;
	s2 =	sand.u32 $0x4000, s30;
	s0 =	sadd.s32 s31, s28  }
0xba: {  	s1 =	sor.u32 s2, s1;
	s0 =	sshll.u32 s0, $0x11  }
0xbb: {  	s0 =	sor.u32 s0, s1  }
0xbc: {  	s0 =	sadd.s32 $0x8F2B, s0  }
0xbd: {  	[sflag:s0] =	ssyncadd.remote.s32 $0x1  }
0xbe: {  	_ =	sfence.sel $0xFFFF  }
0xbf: {  	[dreg:$0x0] =	wrdreg $0xFFFFFFFF;
	(pc) =	sbr.abs _section_cstart, $3  }
0xc0: {  	[dreg:$0x1] =	wrdreg $0xFFFFFFFF  }
0xc1: {  	_ =	task.clear_ibuf [dreg:s6], $0x2FFFF;
	_ =	strace $0x9FFFFFFF  }
0xc2: {  	(tm) =	ssettm $0x7FFFFFFF  }
0xc3: {  	_ =	shalt  }
tec
execute0_lowered:
.L_overlay_start_1:
0x0: {  	(tag) =	ssettag $0x1  }
0x1: {  	s0 =	rddreg [dreg:$0x0]  }
0x2: {  	s1 =	rddreg [dreg:$0x1]  }
0x3: {  	s2 =	rddreg [dreg:$0x2];
	s4 =	simm.s32 $0x0  }
0x4: {  	[smem:$0x7FF] =	sst s4  }
0x5: {  	s3 =	rddreg [dreg:$0x3];
	s26 =	simm.s32 $0x2;
	_ =	strace $0x80000047  }
0x6: {  	[tilespmem:s4], [sflag:$0x2] =	stream.linear.gather [hbm4b:s1+s4], $0xF, $0x38;
	[tilespmem:$0x2100] =	vst v63  }
0x7: {  	_ =	swait.ge [sflag:s26], $0xF  }
0x8: {  	[sflag:s26] =	ssyncset.done $0x0  }
0x9: {  	[sflag:s26] =	ssyncadd.s32 $0xFFFFFFF1  }
0xa: {  	v0 =	vld [tilespmem:$0x0];
	_ =	sdelay $0x2  }
0xb: {  	s5 =	stileid.u32;
	v1 =	vlaneseq.u32  }
0xc: {  	v2 =	vmov s5;
	vm0 =	veq.s32 v1, $0xF  }
0xd: {  	vm1 =	veq.s32 v2, v1;
	v0 =	vsel vm0, $0x0, v0  }
0xe: {  	v0 =	vnsel vm1, $0x0, v0  }
0xf: {  	(xrf0) =	vadd.scan.msk.s32 $0xffff, v0;
	_ =	sdelay $0x5  }
0x10: {  	v0, _, _ =	vpop (xrf0)  }
0x11: {  	(v2sf) =	vpush v0, $0xF;
	_ =	sdelay $0xe  }
0x12: {  	s28 =	simm.s32 $0x400;
	v61 =	vmul.u32 $0x80, v1;
	s6 =	spop (v2sf)  }
0x13: {  	s8 =	simm.s32 $0xC3800;
	s7 =	sand.u32 $0xFFFFF80, s6;
	s6 =	sand.u32 $0x7F, s6  }
0x14: {  	s9 =	simm.s32 $0x80;
	s29 =	simm.s32 $0x1;
	s0 =	sadd.s32 s0, s7;
	v1 =	vor.u32 s6, v61  }
0x15: {  	[tilespmem:s9], [sflag:$0x1] =	stream.strided.gather [hbm4b:s0+s28], $0x2000, s8, s28, $0x38;
	[tilespmem:$0x2100] =	vst v63  }
0x16: {  	_ =	swait.ge [sflag:s29], $0x2000  }
0x17: {  	[sflag:s29] =	ssyncset.done $0x0  }
0x18: {  	[sflag:s29] =	ssyncadd.s32 $0xFFFFE000  }
0x19: {  	v62 =	vor.u32 $0x800, v61;
	v1 =	vld.idx.msk [tilespmem:v1+s9+$0x0], $0xffff  }
0x1a: {  	v2 =	vor.u32 s6, v62;
	_ =	sdelay $0x3  }
0x1b: {  	[tilespmem:$0x2080] =	vst v1  }
0x1c: {  	v63 =	vor.u32 $0x1000, v61;
	v1 =	vld.idx.msk [tilespmem:v2+s9+$0x0], $0xffff  }
0x1d: {  	v2 =	vor.u32 s6, v63;
	_ =	sdelay $0x3  }
0x1e: {  	[tilespmem:$0x2090] =	vst v1  }
0x1f: {  	v0 =	vor.u32 $0x1800, v61;
	v1 =	vld.idx.msk [tilespmem:v2+s9+$0x0], $0xffff  }
0x20: {  	v0 =	vor.u32 s6, v0;
	_ =	sdelay $0x3  }
0x21: {  	[tilespmem:$0x20A0] =	vst v1  }
0x22: {  	v0 =	vld.idx.msk [tilespmem:v0+s9+$0x0], $0xffff;
	_ =	sdelay $0x2  }
0x23: {  	s30 =	sshll.u32 s5, $0x4  }
0x24: {  	s0 =	sadd.s32 s30, s2  }
0x25: {  	s31 =	simm.s32 $0x2080;
	s0 =	sadd.s32 $0xA00, s0;
	[tilespmem:$0x20B0] =	vst v0  }
0x26: {  	[hbm4b:s0+s4] =	stream.linear.scatter [tilespmem:s31], [sflag:$0x2], $0x80, $0x38;
	[tilespmem:$0x2100] =	vst v63  }
0x27: {  	_ =	swait.ge [sflag:s26], $0x80  }
0x28: {  	[sflag:s26] =	ssyncset.done $0x0  }
0x29: {  	[sflag:s26] =	ssyncadd.s32 $0xFFFFFF80  }
0x2a: {  	_ =	sfence.sel $0x180000  }
0x2b: {  	[bflag:$0x0] =	sbarrier.arrive $0xFFFF  }
0x2c: {  	p0 =	sne.s32 s5, $0x0;
	_ =	strace $0x90000047  }
0x2d: {  	s0 =	sadd.s32 @!p0 $0x100000, s3;
	[bflag:$0x2] =	sbarrier.arrive $0xFFFF  }
0x2e: {  	[sflag:s0] =	ssyncadd.tile.s32 @!p0 $0x1;
	_ =	shalt  }
.Lfunc_end2:
_tile_overlayer_lowered:
.L_overlay_start_2:
0x2f: {  	(tag) =	ssettag $0x2  }
0x30: {  	s0 =	rddreg [dreg:$0x0];
	s2 =	stileid.u32  }
0x31: {  	s1 =	rddreg [dreg:$0x1];
	p0 =	sne.s32 s2, $0x0  }
0x32: {  	s3 =	rddreg [dreg:$0x2];
	[bflag:$0x3] =	sbarrier.arrive $0xFFFF;
	s2 =	simm.s32 @!p0 $0x1C02  }
0x33: {  	[timem:s3], [sflag:s2] =	dma.local @!p0 [hbm:s0], s1  }
0x34: {  	s0 =	simm.s32 @!p0 $0x2  }
0x35: {  	_ =	swait.ge @!p0 [sflag:s0], s1  }
0x36: {  	s1 =	ssub.s32 @!p0 $0x0, s1;
	[sflag:s0] =	ssyncset.done @!p0 $0x0  }
0x37: {  	[sflag:s0] =	ssyncadd.s32 @!p0 s1  }
0x38: {  	[bflag:$0x3] =	sbarrier.arrive $0xFFFF  }
0x39: {  	_ =	shalt  }

</sc_bundles>
